<compile_context>
chip_gen: v7x
topology: tpu7x:2x2x1
jax: 0.10.2.dev20260603
libtpu: 0.0.44.dev20260713+nightly
codegen_flags: <defaults>
</compile_context>

<pallas_src>
import functools

import jax
import jax.numpy as jnp
from jax import lax
from jax.experimental import pallas as pl
from jax.experimental.pallas import tpu as pltpu
from jax.experimental.pallas import tpu_sc as plsc

N_NODES = 10000
D_FEAT = 256
DH = 128
E_RAW = 320000
BLK = 128
N_TILES = 16
BLOCKS_PER_TILE = 160
E_PAD = N_TILES * BLOCKS_PER_TILE * BLK
ACC_ROWS = 10240
ZERO_BLKS = ACC_ROWS // (N_TILES * BLK)
ROWS_OUT = 624
ROWS_OUT_LAST = 640
CHUNK = 16
N_CHUNKS = BLOCKS_PER_TILE // CHUNK

_mesh = plsc.VectorSubcoreMesh(core_axis_name="c", subcore_axis_name="s")


@functools.partial(
    pl.kernel,
    mesh=_mesh,
    out_type=(
        jax.ShapeDtypeStruct((N_NODES, DH), jnp.float32),
        jax.ShapeDtypeStruct((N_NODES, DH), jnp.float32),
    ),
    scratch_types=[
        pltpu.VMEM((CHUNK, BLK), jnp.int32),
        pltpu.VMEM((CHUNK, BLK), jnp.int32),
        pltpu.VMEM((BLK, DH), jnp.float32),
        pltpu.VMEM_SHARED((ACC_ROWS, DH), jnp.float32),
        pltpu.SemaphoreType.DMA,
    ],
)
def _mp_kernel(x_lo, x_hi, src_hbm, dst_hbm, out_lo, out_hi,
               src_v, dst_v, rows_v, acc, sem):
    c = lax.axis_index("c")
    s = lax.axis_index("s")

    zeros16 = jnp.zeros((16,), jnp.float32)

    def zrow(i, carry):
        r = i // (DH // 16)
        k = i % (DH // 16)
        rows_v[r, pl.ds(k * 16, 16)] = zeros16
        return carry

    lax.fori_loop(0, BLK * (DH // 16), zrow, 0)
    for z in range(ZERO_BLKS):
        pltpu.sync_copy(rows_v, acc.at[pl.ds((s * ZERO_BLKS + z) * BLK, BLK)])

    base = s * BLOCKS_PER_TILE

    plsc.subcore_barrier()

    def edge_loop(x_ref):
        def chunk_body(ch, carry):
            pltpu.sync_copy(src_hbm.at[pl.ds(base + ch * CHUNK, CHUNK)], src_v)
            pltpu.sync_copy(dst_hbm.at[pl.ds(base + ch * CHUNK, CHUNK)], dst_v)

            def body(b, inner):
                pltpu.async_copy(x_ref.at[src_v.at[b]], rows_v, sem).wait()
                pltpu.sync_copy(rows_v, acc.at[dst_v.at[b]], add=True)
                return inner
            lax.fori_loop(0, CHUNK, body, 0)
            return carry
        lax.fori_loop(0, N_CHUNKS, chunk_body, 0)

    @pl.when(c == 0)
    def _():
        edge_loop(x_lo)

    @pl.when(c == 1)
    def _():
        edge_loop(x_hi)

    plsc.subcore_barrier()

    rbase = s * ROWS_OUT

    def copy_out(out_ref):
        @pl.when(s < N_TILES - 1)
        def _():
            pltpu.sync_copy(acc.at[pl.ds(rbase, ROWS_OUT)],
                            out_ref.at[pl.ds(rbase, ROWS_OUT)])

        @pl.when(s == N_TILES - 1)
        def _():
            pltpu.sync_copy(acc.at[pl.ds(rbase, ROWS_OUT_LAST)],
                            out_ref.at[pl.ds(rbase, ROWS_OUT_LAST)])

    @pl.when(c == 0)
    def _():
        copy_out(out_lo)

    @pl.when(c == 1)
    def _():
        copy_out(out_hi)


def kernel(x, up_index, down_index):
    src = jnp.concatenate([up_index[0], down_index[0]]).astype(jnp.int32)
    dst = jnp.concatenate([up_index[1], down_index[1]]).astype(jnp.int32)
    pad = E_PAD - E_RAW
    src = jnp.concatenate([src, jnp.zeros((pad,), jnp.int32)])
    dst = jnp.concatenate([dst, jnp.full((pad,), N_NODES, jnp.int32)])
    src2d = src.reshape(N_TILES * BLOCKS_PER_TILE, BLK)
    dst2d = dst.reshape(N_TILES * BLOCKS_PER_TILE, BLK)
    x_lo = x[:, :DH]
    x_hi = x[:, DH:]
    out_lo, out_hi = _mp_kernel(x_lo, x_hi, src2d, dst2d)
    return jnp.concatenate([out_lo, out_hi], axis=1)

# --- scband reference (transcript-rebuilt; emitter-appended) ---
"""Pipeline reference for scband-chain-message-passing-1194000908937 (READ-ONLY COPY).

The authoritative reference and input builder live on the scoring server;
editing this copy changes nothing except your own understanding.
"""

import jax, jax.numpy as jnp
import numpy as np

N_NODES = 10000
D_FEAT = 256
N_EDGES = 160000

def setup_inputs(seed: int = 0) -> dict:
    key = jax.random.key(seed)
    k1, k2, k3 = jax.random.split(key, 3)
    x = jax.random.normal(k1, (N_NODES, D_FEAT), dtype=jnp.float32)
    up_index = jax.random.randint(k2, (2, N_EDGES), 0, N_NODES, dtype=jnp.int64)
    down_index = jax.random.randint(k3, (2, N_EDGES), 0, N_NODES, dtype=jnp.int64)
    return {"x": x, "up_index": up_index, "down_index": down_index}

def reference(x, up_index, down_index):
    # ChainMessagePassing.propagate with flow='source_to_target' (i=1, j=0),
    # default message(x_j) = x_j, aggr_up='add', aggr_down='add', identity update.
    n = x.shape[0]
    # __lift__: gather source-node features along edges for each adjacency
    up_x_j = jnp.take(x, up_index[0], axis=0)      # x_j over up adjacency
    down_x_j = jnp.take(x, down_index[0], axis=0)  # x_j over down adjacency
    # aggregate: scatter-add into destination nodes (index = edge_index[i=1])
    up_out = jax.ops.segment_sum(up_x_j, up_index[1], num_segments=n)
    down_out = jax.ops.segment_sum(down_x_j, down_index[1], num_segments=n)
    # update: combine up and down aggregations
    return up_out + down_out

if __name__ == "__main__":
    import jax
    _d = setup_inputs()
    print(jax.jit(kernel)(*tuple(_d.values())))

</pallas_src>

<mosaic_0001>
#map = affine_map<(d0, d1) -> (0, 0)>
module attributes {stable_mosaic.version = 14 : i64} {
  func.func @_mp_kernel(%arg0: i32, %arg1: i32, %arg2: memref<10000x128xf32, #tpu.memory_space<hbm>>, %arg3: memref<10000x128xf32, #tpu.memory_space<hbm>>, %arg4: memref<2560x128xi32, #tpu.memory_space<hbm>>, %arg5: memref<2560x128xi32, #tpu.memory_space<hbm>>, %arg6: memref<10000x128xf32, #tpu.memory_space<hbm>>, %arg7: memref<10000x128xf32, #tpu.memory_space<hbm>>, %arg8: memref<16x128xi32, #tpu.memory_space<vmem>>, %arg9: memref<16x128xi32, #tpu.memory_space<vmem>>, %arg10: memref<128x128xf32, #tpu.memory_space<vmem>>, %arg11: memref<10240x128xf32, #tpu.memory_space<vmem_shared>>, %arg12: memref<!tpu.dma_semaphore, #tpu.memory_space<semaphore_mem>>) attributes {dimension_semantics = [#tpu.dimension_semantics<core_parallel>, #tpu.dimension_semantics<subcore_parallel>], iteration_bounds = array<i64: 2, 16>, scalar_prefetch = 0 : i64, scratch_operands = 5 : i64, tpu.core_type = #tpu.core_type<sc_vector_subcore>, window_params = [{transform_indices = #map}, {transform_indices = #map}, {transform_indices = #map}, {transform_indices = #map}, {transform_indices = #map}, {transform_indices = #map}]} {
    %broadcast_in_dim3A = arith.constant 0.000000e+00 : f32
    %broadcast_in_dim3A_0 = vector.broadcast %broadcast_in_dim3A : f32 to vector<16xf32>
    %scan3A = arith.constant 0 : i32
    %scan3A_1 = arith.constant 0 : i32
    %scan3A_2 = arith.constant 1024 : i32
    %scan3A_3 = arith.addi %scan3A_1, %scan3A_2 : i32
    %scan3A_4 = arith.constant 1 : i32
    scf.for %scan3A_56 = %scan3A_1 to %scan3A_3 step %scan3A_4  : i32 {
      %jit3A = arith.constant 8 : i32
      %div3A = arith.divsi %scan3A_56, %jit3A : i32
      %sign3A = arith.constant 0 : i32
      %sign3A_57 = arith.cmpi sgt, %scan3A_56, %sign3A : i32
      %sign3A_58 = arith.extui %sign3A_57 : i1 to i32
      %sign3A_59 = arith.constant 0 : i32
      %sign3A_60 = arith.cmpi slt, %scan3A_56, %sign3A_59 : i32
      %sign3A_61 = arith.extui %sign3A_60 : i1 to i32
      %sign3A_62 = arith.subi %sign3A_58, %sign3A_61 : i32
      %sign3A_63 = arith.constant 0 : i32
      %sign3A_64 = arith.cmpi sgt, %jit3A, %sign3A_63 : i32
      %sign3A_65 = arith.extui %sign3A_64 : i1 to i32
      %sign3A_66 = arith.constant 0 : i32
      %sign3A_67 = arith.cmpi slt, %jit3A, %sign3A_66 : i32
      %sign3A_68 = arith.extui %sign3A_67 : i1 to i32
      %sign3A_69 = arith.subi %sign3A_65, %sign3A_68 : i32
      %ne3A = arith.cmpi ne, %sign3A_62, %sign3A_69 : i32
      %rem3A = arith.remsi %scan3A_56, %jit3A : i32
      %ne3A_70 = arith.constant 0 : i32
      %ne3A_71 = arith.cmpi ne, %rem3A, %ne3A_70 : i32
      %and3A = arith.andi %ne3A, %ne3A_71 : i1
      %sub3A = arith.constant 1 : i32
      %sub3A_72 = arith.subi %div3A, %sub3A : i32
      %select_n3A = arith.select %and3A, %sub3A_72, %div3A : i32
      %jit3A_73 = arith.constant 8 : i32
      %eq3A_74 = arith.constant 0 : i32
      %eq3A_75 = arith.cmpi eq, %jit3A_73, %eq3A_74 : i32
      %jit3A_76 = arith.constant 1 : i32
      %select_n3A_77 = arith.select %eq3A_75, %jit3A_76, %jit3A_73 : i32
      %rem3A_78 = arith.remsi %scan3A_56, %select_n3A_77 : i32
      %ne3A_79 = arith.constant 0 : i32
      %ne3A_80 = arith.cmpi ne, %rem3A_78, %ne3A_79 : i32
      %lt3A = arith.constant 0 : i32
      %lt3A_81 = arith.cmpi slt, %rem3A_78, %lt3A : i32
      %lt3A_82 = arith.constant 0 : i32
      %lt3A_83 = arith.cmpi slt, %select_n3A_77, %lt3A_82 : i32
      %ne3A_84 = arith.xori %lt3A_81, %lt3A_83 : i1
      %and3A_85 = arith.andi %ne3A_84, %ne3A_80 : i1
      %add3A_86 = arith.addi %rem3A_78, %select_n3A_77 : i32
      %select_n3A_87 = arith.select %and3A_85, %add3A_86, %rem3A_78 : i32
      %mul3A_88 = arith.constant 16 : i32
      %mul3A_89 = arith.muli %select_n3A_87, %mul3A_88 : i32
      %swap3A = arith.index_cast %select_n3A : i32 to index
      %swap3A_90 = arith.index_cast %mul3A_89 : i32 to index
      %swap3A_91 = tpu.vector_load %arg10[%swap3A, %swap3A_90] {strides = array<i32>} : memref<128x128xf32, #tpu.memory_space<vmem>>, vector<1x16xf32>,
      %swap3A_92 = vector.shape_cast %swap3A_91 : vector<1x16xf32> to vector<16xf32>
      %swap3A_93 = vector.shape_cast %broadcast_in_dim3A_0 : vector<16xf32> to vector<1x16xf32>
      tpu.vector_store %arg10[%swap3A, %swap3A_90], %swap3A_93 {strides = array<i32>} : memref<128x128xf32, #tpu.memory_space<vmem>>, vector<1x16xf32>,
    }
    %scan3A_5 = arith.constant 1024 : i32
    %mul3A = arith.constant 5 : i32
    %mul3A_6 = arith.muli %arg1, %mul3A : i32
    %add3A = arith.constant 0 : i32
    %add3A_7 = arith.addi %mul3A_6, %add3A : i32
    %mul3A_8 = arith.constant 128 : i32
    %mul3A_9 = arith.muli %add3A_7, %mul3A_8 : i32
    "tpu.region"() ({
      %run_scoped3A = tpu.sem_alloc : memref<!tpu.dma_semaphore, #tpu.memory_space<semaphore_mem>>
      %dma_start3A = arith.constant 0 : i32
      %dma_start3A_56 = tpu.memref_slice %arg11[%mul3A_9, %dma_start3A] : memref<10240x128xf32, #tpu.memory_space<vmem_shared>> -> memref<128x128xf32, #tpu.memory_space<vmem_shared>>
      %dma_start3A_57 = arith.constant 0 : i32
      %dma_start3A_58 = tpu.memref_slice %arg11[%mul3A_9, %dma_start3A_57] : memref<10240x128xf32, #tpu.memory_space<vmem_shared>> -> memref<128x128xf32, #tpu.memory_space<vmem_shared>>
      tpu.enqueue_dma source(%arg10 : memref<128x128xf32, #tpu.memory_space<vmem>>) target(%dma_start3A_58 : memref<128x128xf32, #tpu.memory_space<vmem_shared>>) target_semaphore(%run_scoped3A : memref<!tpu.dma_semaphore, #tpu.memory_space<semaphore_mem>>)
      %dma_wait3A = arith.constant 0 : i32
      %dma_wait3A_59 = tpu.memref_slice %arg11[%mul3A_9, %dma_wait3A] : memref<10240x128xf32, #tpu.memory_space<vmem_shared>> -> memref<128x128xf32, #tpu.memory_space<vmem_shared>>
      %dma_wait3A_60 = arith.constant 0 : i32
      %dma_wait3A_61 = tpu.memref_slice %arg11[%mul3A_9, %dma_wait3A_60] : memref<10240x128xf32, #tpu.memory_space<vmem_shared>> -> memref<128x128xf32, #tpu.memory_space<vmem_shared>>
      tpu.wait_dma2 semaphore(%run_scoped3A : memref<!tpu.dma_semaphore, #tpu.memory_space<semaphore_mem>>) src(%arg10 : memref<128x128xf32, #tpu.memory_space<vmem>>) dst(%dma_wait3A_61 : memref<128x128xf32, #tpu.memory_space<vmem_shared>>)
      tpu.yield
    }) : () -> ()
    %mul3A_10 = arith.constant 5 : i32
    %mul3A_11 = arith.muli %arg1, %mul3A_10 : i32
    %add3A_12 = arith.constant 1 : i32
    %add3A_13 = arith.addi %mul3A_11, %add3A_12 : i32
    %mul3A_14 = arith.constant 128 : i32
    %mul3A_15 = arith.muli %add3A_13, %mul3A_14 : i32
    "tpu.region"() ({
      %run_scoped3A = tpu.sem_alloc : memref<!tpu.dma_semaphore, #tpu.memory_space<semaphore_mem>>
      %dma_start3A = arith.constant 0 : i32
      %dma_start3A_56 = tpu.memref_slice %arg11[%mul3A_15, %dma_start3A] : memref<10240x128xf32, #tpu.memory_space<vmem_shared>> -> memref<128x128xf32, #tpu.memory_space<vmem_shared>>
      %dma_start3A_57 = arith.constant 0 : i32
      %dma_start3A_58 = tpu.memref_slice %arg11[%mul3A_15, %dma_start3A_57] : memref<10240x128xf32, #tpu.memory_space<vmem_shared>> -> memref<128x128xf32, #tpu.memory_space<vmem_shared>>
      tpu.enqueue_dma source(%arg10 : memref<128x128xf32, #tpu.memory_space<vmem>>) target(%dma_start3A_58 : memref<128x128xf32, #tpu.memory_space<vmem_shared>>) target_semaphore(%run_scoped3A : memref<!tpu.dma_semaphore, #tpu.memory_space<semaphore_mem>>)
      %dma_wait3A = arith.constant 0 : i32
      %dma_wait3A_59 = tpu.memref_slice %arg11[%mul3A_15, %dma_wait3A] : memref<10240x128xf32, #tpu.memory_space<vmem_shared>> -> memref<128x128xf32, #tpu.memory_space<vmem_shared>>
      %dma_wait3A_60 = arith.constant 0 : i32
      %dma_wait3A_61 = tpu.memref_slice %arg11[%mul3A_15, %dma_wait3A_60] : memref<10240x128xf32, #tpu.memory_space<vmem_shared>> -> memref<128x128xf32, #tpu.memory_space<vmem_shared>>
      tpu.wait_dma2 semaphore(%run_scoped3A : memref<!tpu.dma_semaphore, #tpu.memory_space<semaphore_mem>>) src(%arg10 : memref<128x128xf32, #tpu.memory_space<vmem>>) dst(%dma_wait3A_61 : memref<128x128xf32, #tpu.memory_space<vmem_shared>>)
      tpu.yield
    }) : () -> ()
    %mul3A_16 = arith.constant 5 : i32
    %mul3A_17 = arith.muli %arg1, %mul3A_16 : i32
    %add3A_18 = arith.constant 2 : i32
    %add3A_19 = arith.addi %mul3A_17, %add3A_18 : i32
    %mul3A_20 = arith.constant 128 : i32
    %mul3A_21 = arith.muli %add3A_19, %mul3A_20 : i32
    "tpu.region"() ({
      %run_scoped3A = tpu.sem_alloc : memref<!tpu.dma_semaphore, #tpu.memory_space<semaphore_mem>>
      %dma_start3A = arith.constant 0 : i32
      %dma_start3A_56 = tpu.memref_slice %arg11[%mul3A_21, %dma_start3A] : memref<10240x128xf32, #tpu.memory_space<vmem_shared>> -> memref<128x128xf32, #tpu.memory_space<vmem_shared>>
      %dma_start3A_57 = arith.constant 0 : i32
      %dma_start3A_58 = tpu.memref_slice %arg11[%mul3A_21, %dma_start3A_57] : memref<10240x128xf32, #tpu.memory_space<vmem_shared>> -> memref<128x128xf32, #tpu.memory_space<vmem_shared>>
      tpu.enqueue_dma source(%arg10 : memref<128x128xf32, #tpu.memory_space<vmem>>) target(%dma_start3A_58 : memref<128x128xf32, #tpu.memory_space<vmem_shared>>) target_semaphore(%run_scoped3A : memref<!tpu.dma_semaphore, #tpu.memory_space<semaphore_mem>>)
      %dma_wait3A = arith.constant 0 : i32
      %dma_wait3A_59 = tpu.memref_slice %arg11[%mul3A_21, %dma_wait3A] : memref<10240x128xf32, #tpu.memory_space<vmem_shared>> -> memref<128x128xf32, #tpu.memory_space<vmem_shared>>
      %dma_wait3A_60 = arith.constant 0 : i32
      %dma_wait3A_61 = tpu.memref_slice %arg11[%mul3A_21, %dma_wait3A_60] : memref<10240x128xf32, #tpu.memory_space<vmem_shared>> -> memref<128x128xf32, #tpu.memory_space<vmem_shared>>
      tpu.wait_dma2 semaphore(%run_scoped3A : memref<!tpu.dma_semaphore, #tpu.memory_space<semaphore_mem>>) src(%arg10 : memref<128x128xf32, #tpu.memory_space<vmem>>) dst(%dma_wait3A_61 : memref<128x128xf32, #tpu.memory_space<vmem_shared>>)
      tpu.yield
    }) : () -> ()
    %mul3A_22 = arith.constant 5 : i32
    %mul3A_23 = arith.muli %arg1, %mul3A_22 : i32
    %add3A_24 = arith.constant 3 : i32
    %add3A_25 = arith.addi %mul3A_23, %add3A_24 : i32
    %mul3A_26 = arith.constant 128 : i32
    %mul3A_27 = arith.muli %add3A_25, %mul3A_26 : i32
    "tpu.region"() ({
      %run_scoped3A = tpu.sem_alloc : memref<!tpu.dma_semaphore, #tpu.memory_space<semaphore_mem>>
      %dma_start3A = arith.constant 0 : i32
      %dma_start3A_56 = tpu.memref_slice %arg11[%mul3A_27, %dma_start3A] : memref<10240x128xf32, #tpu.memory_space<vmem_shared>> -> memref<128x128xf32, #tpu.memory_space<vmem_shared>>
      %dma_start3A_57 = arith.constant 0 : i32
      %dma_start3A_58 = tpu.memref_slice %arg11[%mul3A_27, %dma_start3A_57] : memref<10240x128xf32, #tpu.memory_space<vmem_shared>> -> memref<128x128xf32, #tpu.memory_space<vmem_shared>>
      tpu.enqueue_dma source(%arg10 : memref<128x128xf32, #tpu.memory_space<vmem>>) target(%dma_start3A_58 : memref<128x128xf32, #tpu.memory_space<vmem_shared>>) target_semaphore(%run_scoped3A : memref<!tpu.dma_semaphore, #tpu.memory_space<semaphore_mem>>)
      %dma_wait3A = arith.constant 0 : i32
      %dma_wait3A_59 = tpu.memref_slice %arg11[%mul3A_27, %dma_wait3A] : memref<10240x128xf32, #tpu.memory_space<vmem_shared>> -> memref<128x128xf32, #tpu.memory_space<vmem_shared>>
      %dma_wait3A_60 = arith.constant 0 : i32
      %dma_wait3A_61 = tpu.memref_slice %arg11[%mul3A_27, %dma_wait3A_60] : memref<10240x128xf32, #tpu.memory_space<vmem_shared>> -> memref<128x128xf32, #tpu.memory_space<vmem_shared>>
      tpu.wait_dma2 semaphore(%run_scoped3A : memref<!tpu.dma_semaphore, #tpu.memory_space<semaphore_mem>>) src(%arg10 : memref<128x128xf32, #tpu.memory_space<vmem>>) dst(%dma_wait3A_61 : memref<128x128xf32, #tpu.memory_space<vmem_shared>>)
      tpu.yield
    }) : () -> ()
    %mul3A_28 = arith.constant 5 : i32
    %mul3A_29 = arith.muli %arg1, %mul3A_28 : i32
    %add3A_30 = arith.constant 4 : i32
    %add3A_31 = arith.addi %mul3A_29, %add3A_30 : i32
    %mul3A_32 = arith.constant 128 : i32
    %mul3A_33 = arith.muli %add3A_31, %mul3A_32 : i32
    "tpu.region"() ({
      %run_scoped3A = tpu.sem_alloc : memref<!tpu.dma_semaphore, #tpu.memory_space<semaphore_mem>>
      %dma_start3A = arith.constant 0 : i32
      %dma_start3A_56 = tpu.memref_slice %arg11[%mul3A_33, %dma_start3A] : memref<10240x128xf32, #tpu.memory_space<vmem_shared>> -> memref<128x128xf32, #tpu.memory_space<vmem_shared>>
      %dma_start3A_57 = arith.constant 0 : i32
      %dma_start3A_58 = tpu.memref_slice %arg11[%mul3A_33, %dma_start3A_57] : memref<10240x128xf32, #tpu.memory_space<vmem_shared>> -> memref<128x128xf32, #tpu.memory_space<vmem_shared>>
      tpu.enqueue_dma source(%arg10 : memref<128x128xf32, #tpu.memory_space<vmem>>) target(%dma_start3A_58 : memref<128x128xf32, #tpu.memory_space<vmem_shared>>) target_semaphore(%run_scoped3A : memref<!tpu.dma_semaphore, #tpu.memory_space<semaphore_mem>>)
      %dma_wait3A = arith.constant 0 : i32
      %dma_wait3A_59 = tpu.memref_slice %arg11[%mul3A_33, %dma_wait3A] : memref<10240x128xf32, #tpu.memory_space<vmem_shared>> -> memref<128x128xf32, #tpu.memory_space<vmem_shared>>
      %dma_wait3A_60 = arith.constant 0 : i32
      %dma_wait3A_61 = tpu.memref_slice %arg11[%mul3A_33, %dma_wait3A_60] : memref<10240x128xf32, #tpu.memory_space<vmem_shared>> -> memref<128x128xf32, #tpu.memory_space<vmem_shared>>
      tpu.wait_dma2 semaphore(%run_scoped3A : memref<!tpu.dma_semaphore, #tpu.memory_space<semaphore_mem>>) src(%arg10 : memref<128x128xf32, #tpu.memory_space<vmem>>) dst(%dma_wait3A_61 : memref<128x128xf32, #tpu.memory_space<vmem_shared>>)
      tpu.yield
    }) : () -> ()
    %mul3A_34 = arith.constant 160 : i32
    %mul3A_35 = arith.muli %arg1, %mul3A_34 : i32
    %barrier3A = arith.constant 0 : index
    tpu.barrier barrier_id(%barrier3A)
    %eq3A = arith.constant 0 : i32
    %eq3A_36 = arith.cmpi eq, %arg0, %eq3A : i32
    %convert_element_type3A = arith.extui %eq3A_36 : i1 to i32
    %cond3A = arith.constant 0 : i32
    %cond3A_37 = arith.cmpi ne, %convert_element_type3A, %cond3A : i32
    scf.if %cond3A_37 {
      %scan3A_56 = arith.constant 0 : i32
      %scan3A_57 = arith.constant 0 : i32
      %scan3A_58 = arith.constant 10 : i32
      %scan3A_59 = arith.addi %scan3A_57, %scan3A_58 : i32
      %scan3A_60 = arith.constant 1 : i32
      scf.for %scan3A_62 = %scan3A_57 to %scan3A_59 step %scan3A_60  : i32 {
        %mul3A_63 = arith.constant 16 : i32
        %mul3A_64 = arith.muli %scan3A_62, %mul3A_63 : i32
        %add3A_65 = arith.addi %mul3A_35, %mul3A_64 : i32
        "tpu.region"() ({
          %run_scoped3A = tpu.sem_alloc : memref<!tpu.dma_semaphore, #tpu.memory_space<semaphore_mem>>
          %dma_start3A = arith.constant 0 : i32
          %dma_start3A_75 = tpu.memref_slice %arg4[%add3A_65, %dma_start3A] : memref<2560x128xi32, #tpu.memory_space<hbm>> -> memref<16x128xi32, #tpu.memory_space<hbm>>
          %dma_start3A_76 = arith.constant 0 : i32
          %dma_start3A_77 = tpu.memref_slice %arg4[%add3A_65, %dma_start3A_76] : memref<2560x128xi32, #tpu.memory_space<hbm>> -> memref<16x128xi32, #tpu.memory_space<hbm>>
          tpu.enqueue_dma source(%dma_start3A_77 : memref<16x128xi32, #tpu.memory_space<hbm>>) target(%arg8 : memref<16x128xi32, #tpu.memory_space<vmem>>) target_semaphore(%run_scoped3A : memref<!tpu.dma_semaphore, #tpu.memory_space<semaphore_mem>>)
          %dma_wait3A = arith.constant 0 : i32
          %dma_wait3A_78 = tpu.memref_slice %arg4[%add3A_65, %dma_wait3A] : memref<2560x128xi32, #tpu.memory_space<hbm>> -> memref<16x128xi32, #tpu.memory_space<hbm>>
          %dma_wait3A_79 = arith.constant 0 : i32
          %dma_wait3A_80 = tpu.memref_slice %arg4[%add3A_65, %dma_wait3A_79] : memref<2560x128xi32, #tpu.memory_space<hbm>> -> memref<16x128xi32, #tpu.memory_space<hbm>>
          tpu.wait_dma2 semaphore(%run_scoped3A : memref<!tpu.dma_semaphore, #tpu.memory_space<semaphore_mem>>) src(%dma_wait3A_80 : memref<16x128xi32, #tpu.memory_space<hbm>>) dst(%arg8 : memref<16x128xi32, #tpu.memory_space<vmem>>)
          tpu.yield
        }) : () -> ()
        %mul3A_66 = arith.constant 16 : i32
        %mul3A_67 = arith.muli %scan3A_62, %mul3A_66 : i32
        %add3A_68 = arith.addi %mul3A_35, %mul3A_67 : i32
        "tpu.region"() ({
          %run_scoped3A = tpu.sem_alloc : memref<!tpu.dma_semaphore, #tpu.memory_space<semaphore_mem>>
          %dma_start3A = arith.constant 0 : i32
          %dma_start3A_75 = tpu.memref_slice %arg5[%add3A_68, %dma_start3A] : memref<2560x128xi32, #tpu.memory_space<hbm>> -> memref<16x128xi32, #tpu.memory_space<hbm>>
          %dma_start3A_76 = arith.constant 0 : i32
          %dma_start3A_77 = tpu.memref_slice %arg5[%add3A_68, %dma_start3A_76] : memref<2560x128xi32, #tpu.memory_space<hbm>> -> memref<16x128xi32, #tpu.memory_space<hbm>>
          tpu.enqueue_dma source(%dma_start3A_77 : memref<16x128xi32, #tpu.memory_space<hbm>>) target(%arg9 : memref<16x128xi32, #tpu.memory_space<vmem>>) target_semaphore(%run_scoped3A : memref<!tpu.dma_semaphore, #tpu.memory_space<semaphore_mem>>)
          %dma_wait3A = arith.constant 0 : i32
          %dma_wait3A_78 = tpu.memref_slice %arg5[%add3A_68, %dma_wait3A] : memref<2560x128xi32, #tpu.memory_space<hbm>> -> memref<16x128xi32, #tpu.memory_space<hbm>>
          %dma_wait3A_79 = arith.constant 0 : i32
          %dma_wait3A_80 = tpu.memref_slice %arg5[%add3A_68, %dma_wait3A_79] : memref<2560x128xi32, #tpu.memory_space<hbm>> -> memref<16x128xi32, #tpu.memory_space<hbm>>
          tpu.wait_dma2 semaphore(%run_scoped3A : memref<!tpu.dma_semaphore, #tpu.memory_space<semaphore_mem>>) src(%dma_wait3A_80 : memref<16x128xi32, #tpu.memory_space<hbm>>) dst(%arg9 : memref<16x128xi32, #tpu.memory_space<vmem>>)
          tpu.yield
        }) : () -> ()
        %scan3A_69 = arith.constant 0 : i32
        %scan3A_70 = arith.constant 0 : i32
        %scan3A_71 = arith.constant 16 : i32
        %scan3A_72 = arith.addi %scan3A_70, %scan3A_71 : i32
        %scan3A_73 = arith.constant 1 : i32
        scf.for %scan3A_75 = %scan3A_70 to %scan3A_72 step %scan3A_73  : i32 {
          %dma_start3A = arith.constant 0 : i32
          %dma_start3A_76 = tpu.memref_slice %arg8[%scan3A_75, %dma_start3A] : memref<16x128xi32, #tpu.memory_space<vmem>> -> memref<1x128xi32, #tpu.memory_space<vmem>>
          %dma_start3A_77 = tpu.memref_squeeze %dma_start3A_76 : memref<1x128xi32, #tpu.memory_space<vmem>> -> memref<128xi32, #tpu.memory_space<vmem>>
          %dma_start3A_78 = arith.constant 0 : i32
          %dma_start3A_79 = arith.constant 0 : i32
          %dma_start3A_80 = tpu.memref_slice %arg2[%dma_start3A_78, %dma_start3A_79] : memref<10000x128xf32, #tpu.memory_space<hbm>> -> memref<10000x128xf32, #tpu.memory_space<hbm>>
          tpu.enqueue_indirect_dma source(%dma_start3A_80 : memref<10000x128xf32, #tpu.memory_space<hbm>>) target(%arg10 : memref<128x128xf32, #tpu.memory_space<vmem>>) offsets(%dma_start3A_77 : memref<128xi32, #tpu.memory_space<vmem>>) semaphore(%arg12 : memref<!tpu.dma_semaphore, #tpu.memory_space<semaphore_mem>>)
          %dma_wait3A = arith.constant 0 : i32
          %dma_wait3A_81 = tpu.memref_slice %arg8[%scan3A_75, %dma_wait3A] : memref<16x128xi32, #tpu.memory_space<vmem>> -> memref<1x128xi32, #tpu.memory_space<vmem>>
          %dma_wait3A_82 = tpu.memref_squeeze %dma_wait3A_81 : memref<1x128xi32, #tpu.memory_space<vmem>> -> memref<128xi32, #tpu.memory_space<vmem>>
          %dma_wait3A_83 = arith.constant 0 : i32
          %dma_wait3A_84 = arith.constant 0 : i32
          %dma_wait3A_85 = tpu.memref_slice %arg2[%dma_wait3A_83, %dma_wait3A_84] : memref<10000x128xf32, #tpu.memory_space<hbm>> -> memref<10000x128xf32, #tpu.memory_space<hbm>>
          tpu.wait_indirect_dma semaphore(%arg12 : memref<!tpu.dma_semaphore, #tpu.memory_space<semaphore_mem>>) src(%dma_wait3A_85 : memref<10000x128xf32, #tpu.memory_space<hbm>>) dst(%arg10 : memref<128x128xf32, #tpu.memory_space<vmem>>)
          "tpu.region"() ({
            %run_scoped3A = tpu.sem_alloc : memref<!tpu.dma_semaphore, #tpu.memory_space<semaphore_mem>>
            %dma_start3A_86 = arith.constant 0 : i32
            %dma_start3A_87 = tpu.memref_slice %arg9[%scan3A_75, %dma_start3A_86] : memref<16x128xi32, #tpu.memory_space<vmem>> -> memref<1x128xi32, #tpu.memory_space<vmem>>
            %dma_start3A_88 = tpu.memref_squeeze %dma_start3A_87 : memref<1x128xi32, #tpu.memory_space<vmem>> -> memref<128xi32, #tpu.memory_space<vmem>>
            %dma_start3A_89 = arith.constant 0 : i32
            %dma_start3A_90 = arith.constant 0 : i32
            %dma_start3A_91 = tpu.memref_slice %arg11[%dma_start3A_89, %dma_start3A_90] : memref<10240x128xf32, #tpu.memory_space<vmem_shared>> -> memref<10240x128xf32, #tpu.memory_space<vmem_shared>>
            tpu.enqueue_indirect_dma source(%arg10 : memref<128x128xf32, #tpu.memory_space<vmem>>) target(%dma_start3A_91 : memref<10240x128xf32, #tpu.memory_space<vmem_shared>>) offsets(%dma_start3A_88 : memref<128xi32, #tpu.memory_space<vmem>>) semaphore(%run_scoped3A : memref<!tpu.dma_semaphore, #tpu.memory_space<semaphore_mem>>) {add = true}
            %dma_wait3A_92 = arith.constant 0 : i32
            %dma_wait3A_93 = tpu.memref_slice %arg9[%scan3A_75, %dma_wait3A_92] : memref<16x128xi32, #tpu.memory_space<vmem>> -> memref<1x128xi32, #tpu.memory_space<vmem>>
            %dma_wait3A_94 = tpu.memref_squeeze %dma_wait3A_93 : memref<1x128xi32, #tpu.memory_space<vmem>> -> memref<128xi32, #tpu.memory_space<vmem>>
            %dma_wait3A_95 = arith.constant 0 : i32
            %dma_wait3A_96 = arith.constant 0 : i32
            %dma_wait3A_97 = tpu.memref_slice %arg11[%dma_wait3A_95, %dma_wait3A_96] : memref<10240x128xf32, #tpu.memory_space<vmem_shared>> -> memref<10240x128xf32, #tpu.memory_space<vmem_shared>>
            tpu.wait_indirect_dma semaphore(%run_scoped3A : memref<!tpu.dma_semaphore, #tpu.memory_space<semaphore_mem>>) src(%arg10 : memref<128x128xf32, #tpu.memory_space<vmem>>) dst(%dma_wait3A_97 : memref<10240x128xf32, #tpu.memory_space<vmem_shared>>)
            tpu.yield
          }) : () -> ()
        }
        %scan3A_74 = arith.constant 16 : i32
      }
      %scan3A_61 = arith.constant 10 : i32
    } else {
    }
    %eq3A_38 = arith.constant 1 : i32
    %eq3A_39 = arith.cmpi eq, %arg0, %eq3A_38 : i32
    %convert_element_type3A_40 = arith.extui %eq3A_39 : i1 to i32
    %cond3A_41 = arith.constant 0 : i32
    %cond3A_42 = arith.cmpi ne, %convert_element_type3A_40, %cond3A_41 : i32
    scf.if %cond3A_42 {
      %scan3A_56 = arith.constant 0 : i32
      %scan3A_57 = arith.constant 0 : i32
      %scan3A_58 = arith.constant 10 : i32
      %scan3A_59 = arith.addi %scan3A_57, %scan3A_58 : i32
      %scan3A_60 = arith.constant 1 : i32
      scf.for %scan3A_62 = %scan3A_57 to %scan3A_59 step %scan3A_60  : i32 {
        %mul3A_63 = arith.constant 16 : i32
        %mul3A_64 = arith.muli %scan3A_62, %mul3A_63 : i32
        %add3A_65 = arith.addi %mul3A_35, %mul3A_64 : i32
        "tpu.region"() ({
          %run_scoped3A = tpu.sem_alloc : memref<!tpu.dma_semaphore, #tpu.memory_space<semaphore_mem>>
          %dma_start3A = arith.constant 0 : i32
          %dma_start3A_75 = tpu.memref_slice %arg4[%add3A_65, %dma_start3A] : memref<2560x128xi32, #tpu.memory_space<hbm>> -> memref<16x128xi32, #tpu.memory_space<hbm>>
          %dma_start3A_76 = arith.constant 0 : i32
          %dma_start3A_77 = tpu.memref_slice %arg4[%add3A_65, %dma_start3A_76] : memref<2560x128xi32, #tpu.memory_space<hbm>> -> memref<16x128xi32, #tpu.memory_space<hbm>>
          tpu.enqueue_dma source(%dma_start3A_77 : memref<16x128xi32, #tpu.memory_space<hbm>>) target(%arg8 : memref<16x128xi32, #tpu.memory_space<vmem>>) target_semaphore(%run_scoped3A : memref<!tpu.dma_semaphore, #tpu.memory_space<semaphore_mem>>)
          %dma_wait3A = arith.constant 0 : i32
          %dma_wait3A_78 = tpu.memref_slice %arg4[%add3A_65, %dma_wait3A] : memref<2560x128xi32, #tpu.memory_space<hbm>> -> memref<16x128xi32, #tpu.memory_space<hbm>>
          %dma_wait3A_79 = arith.constant 0 : i32
          %dma_wait3A_80 = tpu.memref_slice %arg4[%add3A_65, %dma_wait3A_79] : memref<2560x128xi32, #tpu.memory_space<hbm>> -> memref<16x128xi32, #tpu.memory_space<hbm>>
          tpu.wait_dma2 semaphore(%run_scoped3A : memref<!tpu.dma_semaphore, #tpu.memory_space<semaphore_mem>>) src(%dma_wait3A_80 : memref<16x128xi32, #tpu.memory_space<hbm>>) dst(%arg8 : memref<16x128xi32, #tpu.memory_space<vmem>>)
          tpu.yield
        }) : () -> ()
        %mul3A_66 = arith.constant 16 : i32
        %mul3A_67 = arith.muli %scan3A_62, %mul3A_66 : i32
        %add3A_68 = arith.addi %mul3A_35, %mul3A_67 : i32
        "tpu.region"() ({
          %run_scoped3A = tpu.sem_alloc : memref<!tpu.dma_semaphore, #tpu.memory_space<semaphore_mem>>
          %dma_start3A = arith.constant 0 : i32
          %dma_start3A_75 = tpu.memref_slice %arg5[%add3A_68, %dma_start3A] : memref<2560x128xi32, #tpu.memory_space<hbm>> -> memref<16x128xi32, #tpu.memory_space<hbm>>
          %dma_start3A_76 = arith.constant 0 : i32
          %dma_start3A_77 = tpu.memref_slice %arg5[%add3A_68, %dma_start3A_76] : memref<2560x128xi32, #tpu.memory_space<hbm>> -> memref<16x128xi32, #tpu.memory_space<hbm>>
          tpu.enqueue_dma source(%dma_start3A_77 : memref<16x128xi32, #tpu.memory_space<hbm>>) target(%arg9 : memref<16x128xi32, #tpu.memory_space<vmem>>) target_semaphore(%run_scoped3A : memref<!tpu.dma_semaphore, #tpu.memory_space<semaphore_mem>>)
          %dma_wait3A = arith.constant 0 : i32
          %dma_wait3A_78 = tpu.memref_slice %arg5[%add3A_68, %dma_wait3A] : memref<2560x128xi32, #tpu.memory_space<hbm>> -> memref<16x128xi32, #tpu.memory_space<hbm>>
          %dma_wait3A_79 = arith.constant 0 : i32
          %dma_wait3A_80 = tpu.memref_slice %arg5[%add3A_68, %dma_wait3A_79] : memref<2560x128xi32, #tpu.memory_space<hbm>> -> memref<16x128xi32, #tpu.memory_space<hbm>>
          tpu.wait_dma2 semaphore(%run_scoped3A : memref<!tpu.dma_semaphore, #tpu.memory_space<semaphore_mem>>) src(%dma_wait3A_80 : memref<16x128xi32, #tpu.memory_space<hbm>>) dst(%arg9 : memref<16x128xi32, #tpu.memory_space<vmem>>)
          tpu.yield
        }) : () -> ()
        %scan3A_69 = arith.constant 0 : i32
        %scan3A_70 = arith.constant 0 : i32
        %scan3A_71 = arith.constant 16 : i32
        %scan3A_72 = arith.addi %scan3A_70, %scan3A_71 : i32
        %scan3A_73 = arith.constant 1 : i32
        scf.for %scan3A_75 = %scan3A_70 to %scan3A_72 step %scan3A_73  : i32 {
          %dma_start3A = arith.constant 0 : i32
          %dma_start3A_76 = tpu.memref_slice %arg8[%scan3A_75, %dma_start3A] : memref<16x128xi32, #tpu.memory_space<vmem>> -> memref<1x128xi32, #tpu.memory_space<vmem>>
          %dma_start3A_77 = tpu.memref_squeeze %dma_start3A_76 : memref<1x128xi32, #tpu.memory_space<vmem>> -> memref<128xi32, #tpu.memory_space<vmem>>
          %dma_start3A_78 = arith.constant 0 : i32
          %dma_start3A_79 = arith.constant 0 : i32
          %dma_start3A_80 = tpu.memref_slice %arg3[%dma_start3A_78, %dma_start3A_79] : memref<10000x128xf32, #tpu.memory_space<hbm>> -> memref<10000x128xf32, #tpu.memory_space<hbm>>
          tpu.enqueue_indirect_dma source(%dma_start3A_80 : memref<10000x128xf32, #tpu.memory_space<hbm>>) target(%arg10 : memref<128x128xf32, #tpu.memory_space<vmem>>) offsets(%dma_start3A_77 : memref<128xi32, #tpu.memory_space<vmem>>) semaphore(%arg12 : memref<!tpu.dma_semaphore, #tpu.memory_space<semaphore_mem>>)
          %dma_wait3A = arith.constant 0 : i32
          %dma_wait3A_81 = tpu.memref_slice %arg8[%scan3A_75, %dma_wait3A] : memref<16x128xi32, #tpu.memory_space<vmem>> -> memref<1x128xi32, #tpu.memory_space<vmem>>
          %dma_wait3A_82 = tpu.memref_squeeze %dma_wait3A_81 : memref<1x128xi32, #tpu.memory_space<vmem>> -> memref<128xi32, #tpu.memory_space<vmem>>
          %dma_wait3A_83 = arith.constant 0 : i32
          %dma_wait3A_84 = arith.constant 0 : i32
          %dma_wait3A_85 = tpu.memref_slice %arg3[%dma_wait3A_83, %dma_wait3A_84] : memref<10000x128xf32, #tpu.memory_space<hbm>> -> memref<10000x128xf32, #tpu.memory_space<hbm>>
          tpu.wait_indirect_dma semaphore(%arg12 : memref<!tpu.dma_semaphore, #tpu.memory_space<semaphore_mem>>) src(%dma_wait3A_85 : memref<10000x128xf32, #tpu.memory_space<hbm>>) dst(%arg10 : memref<128x128xf32, #tpu.memory_space<vmem>>)
          "tpu.region"() ({
            %run_scoped3A = tpu.sem_alloc : memref<!tpu.dma_semaphore, #tpu.memory_space<semaphore_mem>>
            %dma_start3A_86 = arith.constant 0 : i32
            %dma_start3A_87 = tpu.memref_slice %arg9[%scan3A_75, %dma_start3A_86] : memref<16x128xi32, #tpu.memory_space<vmem>> -> memref<1x128xi32, #tpu.memory_space<vmem>>
            %dma_start3A_88 = tpu.memref_squeeze %dma_start3A_87 : memref<1x128xi32, #tpu.memory_space<vmem>> -> memref<128xi32, #tpu.memory_space<vmem>>
            %dma_start3A_89 = arith.constant 0 : i32
            %dma_start3A_90 = arith.constant 0 : i32
            %dma_start3A_91 = tpu.memref_slice %arg11[%dma_start3A_89, %dma_start3A_90] : memref<10240x128xf32, #tpu.memory_space<vmem_shared>> -> memref<10240x128xf32, #tpu.memory_space<vmem_shared>>
            tpu.enqueue_indirect_dma source(%arg10 : memref<128x128xf32, #tpu.memory_space<vmem>>) target(%dma_start3A_91 : memref<10240x128xf32, #tpu.memory_space<vmem_shared>>) offsets(%dma_start3A_88 : memref<128xi32, #tpu.memory_space<vmem>>) semaphore(%run_scoped3A : memref<!tpu.dma_semaphore, #tpu.memory_space<semaphore_mem>>) {add = true}
            %dma_wait3A_92 = arith.constant 0 : i32
            %dma_wait3A_93 = tpu.memref_slice %arg9[%scan3A_75, %dma_wait3A_92] : memref<16x128xi32, #tpu.memory_space<vmem>> -> memref<1x128xi32, #tpu.memory_space<vmem>>
            %dma_wait3A_94 = tpu.memref_squeeze %dma_wait3A_93 : memref<1x128xi32, #tpu.memory_space<vmem>> -> memref<128xi32, #tpu.memory_space<vmem>>
            %dma_wait3A_95 = arith.constant 0 : i32
            %dma_wait3A_96 = arith.constant 0 : i32
            %dma_wait3A_97 = tpu.memref_slice %arg11[%dma_wait3A_95, %dma_wait3A_96] : memref<10240x128xf32, #tpu.memory_space<vmem_shared>> -> memref<10240x128xf32, #tpu.memory_space<vmem_shared>>
            tpu.wait_indirect_dma semaphore(%run_scoped3A : memref<!tpu.dma_semaphore, #tpu.memory_space<semaphore_mem>>) src(%arg10 : memref<128x128xf32, #tpu.memory_space<vmem>>) dst(%dma_wait3A_97 : memref<10240x128xf32, #tpu.memory_space<vmem_shared>>)
            tpu.yield
          }) : () -> ()
        }
        %scan3A_74 = arith.constant 16 : i32
      }
      %scan3A_61 = arith.constant 10 : i32
    } else {
    }
    %barrier3A_43 = arith.constant 0 : index
    tpu.barrier barrier_id(%barrier3A_43)
    %mul3A_44 = arith.constant 624 : i32
    %mul3A_45 = arith.muli %arg1, %mul3A_44 : i32
    %eq3A_46 = arith.constant 0 : i32
    %eq3A_47 = arith.cmpi eq, %arg0, %eq3A_46 : i32
    %convert_element_type3A_48 = arith.extui %eq3A_47 : i1 to i32
    %cond3A_49 = arith.constant 0 : i32
    %cond3A_50 = arith.cmpi ne, %convert_element_type3A_48, %cond3A_49 : i32
    scf.if %cond3A_50 {
      %lt3A = arith.constant 15 : i32
      %lt3A_56 = arith.cmpi slt, %arg1, %lt3A : i32
      %convert_element_type3A_57 = arith.extui %lt3A_56 : i1 to i32
      %cond3A_58 = arith.constant 0 : i32
      %cond3A_59 = arith.cmpi ne, %convert_element_type3A_57, %cond3A_58 : i32
      scf.if %cond3A_59 {
        "tpu.region"() ({
          %run_scoped3A = tpu.sem_alloc : memref<!tpu.dma_semaphore, #tpu.memory_space<semaphore_mem>>
          %dma_start3A = arith.constant 0 : i32
          %dma_start3A_65 = tpu.memref_slice %arg6[%mul3A_45, %dma_start3A] : memref<10000x128xf32, #tpu.memory_space<hbm>> -> memref<624x128xf32, #tpu.memory_space<hbm>>
          %dma_start3A_66 = arith.constant 0 : i32
          %dma_start3A_67 = tpu.memref_slice %arg11[%mul3A_45, %dma_start3A_66] : memref<10240x128xf32, #tpu.memory_space<vmem_shared>> -> memref<624x128xf32, #tpu.memory_space<vmem_shared>>
          tpu.enqueue_dma source(%dma_start3A_67 : memref<624x128xf32, #tpu.memory_space<vmem_shared>>) target(%dma_start3A_65 : memref<624x128xf32, #tpu.memory_space<hbm>>) target_semaphore(%run_scoped3A : memref<!tpu.dma_semaphore, #tpu.memory_space<semaphore_mem>>)
          %dma_wait3A = arith.constant 0 : i32
          %dma_wait3A_68 = tpu.memref_slice %arg6[%mul3A_45, %dma_wait3A] : memref<10000x128xf32, #tpu.memory_space<hbm>> -> memref<624x128xf32, #tpu.memory_space<hbm>>
          %dma_wait3A_69 = arith.constant 0 : i32
          %dma_wait3A_70 = tpu.memref_slice %arg11[%mul3A_45, %dma_wait3A_69] : memref<10240x128xf32, #tpu.memory_space<vmem_shared>> -> memref<624x128xf32, #tpu.memory_space<vmem_shared>>
          tpu.wait_dma2 semaphore(%run_scoped3A : memref<!tpu.dma_semaphore, #tpu.memory_space<semaphore_mem>>) src(%dma_wait3A_70 : memref<624x128xf32, #tpu.memory_space<vmem_shared>>) dst(%dma_wait3A_68 : memref<624x128xf32, #tpu.memory_space<hbm>>)
          tpu.yield
        }) : () -> ()
      } else {
      }
      %eq3A_60 = arith.constant 15 : i32
      %eq3A_61 = arith.cmpi eq, %arg1, %eq3A_60 : i32
      %convert_element_type3A_62 = arith.extui %eq3A_61 : i1 to i32
      %cond3A_63 = arith.constant 0 : i32
      %cond3A_64 = arith.cmpi ne, %convert_element_type3A_62, %cond3A_63 : i32
      scf.if %cond3A_64 {
        "tpu.region"() ({
          %run_scoped3A = tpu.sem_alloc : memref<!tpu.dma_semaphore, #tpu.memory_space<semaphore_mem>>
          %dma_start3A = arith.constant 0 : i32
          %dma_start3A_65 = tpu.memref_slice %arg6[%mul3A_45, %dma_start3A] : memref<10000x128xf32, #tpu.memory_space<hbm>> -> memref<640x128xf32, #tpu.memory_space<hbm>>
          %dma_start3A_66 = arith.constant 0 : i32
          %dma_start3A_67 = tpu.memref_slice %arg11[%mul3A_45, %dma_start3A_66] : memref<10240x128xf32, #tpu.memory_space<vmem_shared>> -> memref<640x128xf32, #tpu.memory_space<vmem_shared>>
          tpu.enqueue_dma source(%dma_start3A_67 : memref<640x128xf32, #tpu.memory_space<vmem_shared>>) target(%dma_start3A_65 : memref<640x128xf32, #tpu.memory_space<hbm>>) target_semaphore(%run_scoped3A : memref<!tpu.dma_semaphore, #tpu.memory_space<semaphore_mem>>)
          %dma_wait3A = arith.constant 0 : i32
          %dma_wait3A_68 = tpu.memref_slice %arg6[%mul3A_45, %dma_wait3A] : memref<10000x128xf32, #tpu.memory_space<hbm>> -> memref<640x128xf32, #tpu.memory_space<hbm>>
          %dma_wait3A_69 = arith.constant 0 : i32
          %dma_wait3A_70 = tpu.memref_slice %arg11[%mul3A_45, %dma_wait3A_69] : memref<10240x128xf32, #tpu.memory_space<vmem_shared>> -> memref<640x128xf32, #tpu.memory_space<vmem_shared>>
          tpu.wait_dma2 semaphore(%run_scoped3A : memref<!tpu.dma_semaphore, #tpu.memory_space<semaphore_mem>>) src(%dma_wait3A_70 : memref<640x128xf32, #tpu.memory_space<vmem_shared>>) dst(%dma_wait3A_68 : memref<640x128xf32, #tpu.memory_space<hbm>>)
          tpu.yield
        }) : () -> ()
      } else {
      }
    } else {
    }
    %eq3A_51 = arith.constant 1 : i32
    %eq3A_52 = arith.cmpi eq, %arg0, %eq3A_51 : i32
    %convert_element_type3A_53 = arith.extui %eq3A_52 : i1 to i32
    %cond3A_54 = arith.constant 0 : i32
    %cond3A_55 = arith.cmpi ne, %convert_element_type3A_53, %cond3A_54 : i32
    scf.if %cond3A_55 {
      %lt3A = arith.constant 15 : i32
      %lt3A_56 = arith.cmpi slt, %arg1, %lt3A : i32
      %convert_element_type3A_57 = arith.extui %lt3A_56 : i1 to i32
      %cond3A_58 = arith.constant 0 : i32
      %cond3A_59 = arith.cmpi ne, %convert_element_type3A_57, %cond3A_58 : i32
      scf.if %cond3A_59 {
        "tpu.region"() ({
          %run_scoped3A = tpu.sem_alloc : memref<!tpu.dma_semaphore, #tpu.memory_space<semaphore_mem>>
          %dma_start3A = arith.constant 0 : i32
          %dma_start3A_65 = tpu.memref_slice %arg7[%mul3A_45, %dma_start3A] : memref<10000x128xf32, #tpu.memory_space<hbm>> -> memref<624x128xf32, #tpu.memory_space<hbm>>
          %dma_start3A_66 = arith.constant 0 : i32
          %dma_start3A_67 = tpu.memref_slice %arg11[%mul3A_45, %dma_start3A_66] : memref<10240x128xf32, #tpu.memory_space<vmem_shared>> -> memref<624x128xf32, #tpu.memory_space<vmem_shared>>
          tpu.enqueue_dma source(%dma_start3A_67 : memref<624x128xf32, #tpu.memory_space<vmem_shared>>) target(%dma_start3A_65 : memref<624x128xf32, #tpu.memory_space<hbm>>) target_semaphore(%run_scoped3A : memref<!tpu.dma_semaphore, #tpu.memory_space<semaphore_mem>>)
          %dma_wait3A = arith.constant 0 : i32
          %dma_wait3A_68 = tpu.memref_slice %arg7[%mul3A_45, %dma_wait3A] : memref<10000x128xf32, #tpu.memory_space<hbm>> -> memref<624x128xf32, #tpu.memory_space<hbm>>
          %dma_wait3A_69 = arith.constant 0 : i32
          %dma_wait3A_70 = tpu.memref_slice %arg11[%mul3A_45, %dma_wait3A_69] : memref<10240x128xf32, #tpu.memory_space<vmem_shared>> -> memref<624x128xf32, #tpu.memory_space<vmem_shared>>
          tpu.wait_dma2 semaphore(%run_scoped3A : memref<!tpu.dma_semaphore, #tpu.memory_space<semaphore_mem>>) src(%dma_wait3A_70 : memref<624x128xf32, #tpu.memory_space<vmem_shared>>) dst(%dma_wait3A_68 : memref<624x128xf32, #tpu.memory_space<hbm>>)
          tpu.yield
        }) : () -> ()
      } else {
      }
      %eq3A_60 = arith.constant 15 : i32
      %eq3A_61 = arith.cmpi eq, %arg1, %eq3A_60 : i32
      %convert_element_type3A_62 = arith.extui %eq3A_61 : i1 to i32
      %cond3A_63 = arith.constant 0 : i32
      %cond3A_64 = arith.cmpi ne, %convert_element_type3A_62, %cond3A_63 : i32
      scf.if %cond3A_64 {
        "tpu.region"() ({
          %run_scoped3A = tpu.sem_alloc : memref<!tpu.dma_semaphore, #tpu.memory_space<semaphore_mem>>
          %dma_start3A = arith.constant 0 : i32
          %dma_start3A_65 = tpu.memref_slice %arg7[%mul3A_45, %dma_start3A] : memref<10000x128xf32, #tpu.memory_space<hbm>> -> memref<640x128xf32, #tpu.memory_space<hbm>>
          %dma_start3A_66 = arith.constant 0 : i32
          %dma_start3A_67 = tpu.memref_slice %arg11[%mul3A_45, %dma_start3A_66] : memref<10240x128xf32, #tpu.memory_space<vmem_shared>> -> memref<640x128xf32, #tpu.memory_space<vmem_shared>>
          tpu.enqueue_dma source(%dma_start3A_67 : memref<640x128xf32, #tpu.memory_space<vmem_shared>>) target(%dma_start3A_65 : memref<640x128xf32, #tpu.memory_space<hbm>>) target_semaphore(%run_scoped3A : memref<!tpu.dma_semaphore, #tpu.memory_space<semaphore_mem>>)
          %dma_wait3A = arith.constant 0 : i32
          %dma_wait3A_68 = tpu.memref_slice %arg7[%mul3A_45, %dma_wait3A] : memref<10000x128xf32, #tpu.memory_space<hbm>> -> memref<640x128xf32, #tpu.memory_space<hbm>>
          %dma_wait3A_69 = arith.constant 0 : i32
          %dma_wait3A_70 = tpu.memref_slice %arg11[%mul3A_45, %dma_wait3A_69] : memref<10240x128xf32, #tpu.memory_space<vmem_shared>> -> memref<640x128xf32, #tpu.memory_space<vmem_shared>>
          tpu.wait_dma2 semaphore(%run_scoped3A : memref<!tpu.dma_semaphore, #tpu.memory_space<semaphore_mem>>) src(%dma_wait3A_70 : memref<640x128xf32, #tpu.memory_space<vmem_shared>>) dst(%dma_wait3A_68 : memref<640x128xf32, #tpu.memory_space<hbm>>)
          tpu.yield
        }) : () -> ()
      } else {
      }
    } else {
    }
    return
  }
}

</mosaic_0001>

<sc_bundles>
// kernel: kernel.3.cloned.1.call-start
scs
__scs_entry_jumppad:
0x0: {  	(pc) =	sbr.rel $0x88, $3  }
0x1: {  	(tag) =	ssettag $0x0;
	lr =	simm.s32 $0x1  }
0x2: {  	[smem:$0x3F9E] =	sst lr;
	_ =	strace $0xD0000000  }
0x3: {  	_ = 	snop  }
0x4: {  	_ = 	snop  }
0x5: {  	_ = 	snop  }
0x6: {  	_ = 	snop  }
0x7: {  	_ = 	snop  }
__scs_overlays_trampoline_lowered:
0x8: {  	[smem:$0x3FAD] =	sst s0  }
0x9: {  	[smem:$0x3FAE] =	sst s1  }
0xa: {  	[smem:$0x3FAF] =	sst s2  }
0xb: {  	[smem:$0x3FB0] =	sst s3  }
0xc: {  	[smem:$0x3FB1] =	sst s4  }
0xd: {  	[smem:$0x3FB2] =	sst s5  }
0xe: {  	[smem:$0x3FB3] =	sst s6  }
0xf: {  	[smem:$0x3FB4] =	sst s7  }
0x10: {  	[smem:$0x3FB5] =	sst s8  }
0x11: {  	[smem:$0x3FB6] =	sst s9;
	s0 =	simm.s32 @!p0 $0x0  }
0x12: {  	s1 =	sld [smem:$0x3F9C];
	s0 =	simm.s32 @p0 $0x1  }
0x13: {  	[smem:$0x3FB7] =	sst s0;
	s0 =	simm.s32 @!p1 $0x0  }
0x14: {  	s2 =	sld [smem:$0x3F9B];
	s0 =	simm.s32 @p1 $0x1  }
0x15: {  	[smem:$0x3FB8] =	sst s0;
	s0 =	simm.s32 @!p2 $0x0  }
0x16: {  	s3 =	sld [smem:$0x3FDB];
	s0 =	simm.s32 @p2 $0x1  }
0x17: {  	s4 =	simm.s32 $0x1BF5;
	[smem:$0x3FBA] =	sst s0  }
0x18: {  	s0 =	sld [smem:$0x3F9D];
	_ =	swait.ge [sflag:s4], $0x0  }
0x19: {  	s7 =	sld [smem:$0x3F9E]  }
0x1a: {  	s8 =	sadd.s32 $0xFFFFE003, lr  }
0x1b: {  	s9 =	sadd.s32 $0xFFFFFEF7, lr;
	s5 =	simm.s32 $0xFFFFFFFF;
	p2 =	slt.u32 s8, $0xFFFFF086  }
0x1c: {  	p1 =	slt.u32 s9, $0xF7A;
	s5 =	simm.s32 @!p2 $0x0  }
0x1d: {  	s5 =	simm.s32 @p1 $0x1;
	p0 =	seq.s32 s7, s2  }
0x1e: {  	s7 =	smul.u32 @!p0 $0xF7A, s2;
	p2 =	seq.s32 @!p0 s5, $0x0  }
0x1f: {  	s9 =	smul.u32 $0xF7A, s1;
	s8 =	simm.s32 @!p0 $0x1BF5;
	p2 =	por !p2, p0  }
0x20: {  	[sflag:s8] =	ssyncset.s32 @!p0 $0xFFFFF086;
	s6 =	sadd.s32 @!p0 s3, s7;
	s7 =	simm.s32 @!p0 $0x108  }
0x21: {  	s3 =	sadd.s32 s3, s9;
	s6 =	sadd.s32 @!p0 $0x88, s6;
	s7 =	simm.s32 @p2 $0x1082  }
0x22: {  	[simem:s7], [sflag:s8] =	dma.local @!p0 [hbm:s6], $0xF7A  }
0x23: {  	s9 =	sor.u32 $0xD0000000, s2;
	s6 =	simm.s32 $0x108;
	_ =	swait.ge @!p0 [sflag:s8], $0x0  }
0x24: {  	s3 =	sadd.s32 $0x88, s3;
	s6 =	simm.s32 @!p1 $0x1082;
	[sflag:s4] =	ssyncset.s32 $0xFFFFF086  }
0x25: {  	[simem:s6], [sflag:s4] =	dma.local [hbm:s3], $0xF7A  }
0x26: {  	[smem:$0x3F9E] =	sst s1;
	(tag) =	ssettag s2;
	_ =	strace s9  }
0x27: {  	s1 =	sld [smem:$0x3FAE]  }
0x28: {  	s2 =	sld [smem:$0x3FAF]  }
0x29: {  	s4 =	sld [smem:$0x3FB1]  }
0x2a: {  	p0 =	seq.s32 s5, $0x0;
	s5 =	sld [smem:$0x3FB2]  }
0x2b: {  	s6 =	sld [smem:$0x3FB3]  }
0x2c: {  	s7 =	sld [smem:$0x3FB4]  }
0x2d: {  	s3 =	simm.s32 $0x108;
	s8 =	sld [smem:$0x3FB5]  }
0x2e: {  	s3 =	simm.s32 @!p0 $0x1082;
	s9 =	sld [smem:$0x3FB6]  }
0x2f: {  	lr =	sadd.s32 s0, s3;
	s0 =	sld [smem:$0x3FAD]  }
0x30: {  	s3 =	sld [smem:$0x3FB0]  }
0x31: {  	[smem:$0x3FB9] =	sst s10  }
0x32: {  	s10 =	sld [smem:$0x3FB7];
	_ =	sdelay $0x3  }
0x33: {  	p0 =	seq.s32 s10, $0x1;
	s10 =	sld [smem:$0x3FB9];
	_ =	sdelay $0x3  }
0x34: {  	[smem:$0x3FB9] =	sst s10  }
0x35: {  	s10 =	sld [smem:$0x3FB8];
	_ =	sdelay $0x3  }
0x36: {  	p1 =	seq.s32 s10, $0x1;
	s10 =	sld [smem:$0x3FB9];
	_ =	sdelay $0x3  }
0x37: {  	[smem:$0x3FB9] =	sst s10  }
0x38: {  	s10 =	sld [smem:$0x3FBA]  }
0x39: {  	_ = 	snop;
	(pc) =	sbr.ind lr, $3  }
0x3a: {  	_ = 	snop  }
0x3b: {  	_ = 	snop  }
0x3c: {  	p2 =	seq.s32 s10, $0x1;
	s10 =	sld [smem:$0x3FB9]  }
0x3d: {  	_ =	shalt  }
0x3e: {  	_ =	shalt  }
0x3f: {  	_ =	shalt  }
0x40: {  	_ =	shalt  }
0x41: {  	_ =	shalt  }
0x42: {  	_ =	shalt  }
0x43: {  	_ =	shalt  }
0x44: {  	_ =	shalt  }
0x45: {  	_ =	shalt  }
0x46: {  	_ =	shalt  }
0x47: {  	_ =	shalt  }
0x48: {  	_ =	shalt  }
0x49: {  	_ =	shalt  }
0x4a: {  	_ =	shalt  }
0x4b: {  	_ =	shalt  }
0x4c: {  	_ =	shalt  }
0x4d: {  	_ =	shalt  }
0x4e: {  	_ =	shalt  }
0x4f: {  	_ =	shalt  }
0x50: {  	_ =	shalt  }
0x51: {  	_ =	shalt  }
0x52: {  	_ =	shalt  }
0x53: {  	_ =	shalt  }
0x54: {  	_ =	shalt  }
0x55: {  	_ =	shalt  }
0x56: {  	_ =	shalt  }
0x57: {  	_ =	shalt  }
0x58: {  	_ =	shalt  }
0x59: {  	_ =	shalt  }
0x5a: {  	_ =	shalt  }
0x5b: {  	_ =	shalt  }
0x5c: {  	_ =	shalt  }
0x5d: {  	_ =	shalt  }
0x5e: {  	_ =	shalt  }
0x5f: {  	_ =	shalt  }
0x60: {  	_ =	shalt  }
0x61: {  	_ =	shalt  }
0x62: {  	_ =	shalt  }
0x63: {  	_ =	shalt  }
0x64: {  	_ =	shalt  }
0x65: {  	_ =	shalt  }
0x66: {  	_ =	shalt  }
0x67: {  	_ =	shalt  }
0x68: {  	_ =	shalt  }
0x69: {  	_ =	shalt  }
0x6a: {  	_ =	shalt  }
0x6b: {  	_ =	shalt  }
0x6c: {  	_ =	shalt  }
0x6d: {  	_ =	shalt  }
0x6e: {  	_ =	shalt  }
0x6f: {  	_ =	shalt  }
0x70: {  	_ =	shalt  }
0x71: {  	_ =	shalt  }
0x72: {  	_ =	shalt  }
0x73: {  	_ =	shalt  }
0x74: {  	_ =	shalt  }
0x75: {  	_ =	shalt  }
0x76: {  	_ =	shalt  }
0x77: {  	_ =	shalt  }
0x78: {  	_ =	shalt  }
0x79: {  	_ =	shalt  }
0x7a: {  	_ =	shalt  }
0x7b: {  	_ =	shalt  }
0x7c: {  	_ =	shalt  }
0x7d: {  	_ =	shalt  }
0x7e: {  	_ =	shalt  }
0x7f: {  	_ =	shalt  }
0x80: {  	_ =	shalt  }
0x81: {  	_ =	shalt  }
0x82: {  	_ =	shalt  }
0x83: {  	_ =	shalt  }
0x84: {  	_ =	shalt  }
0x85: {  	_ =	shalt  }
0x86: {  	_ =	shalt  }
0x87: {  	_ =	shalt  }
.Lfunc_end0:
.L_simem_size_0:
called_computation_lowered:
.L_overlay_start_0:
0x88: {  	s2 =	sld [smem:$0x3FD9]  }
0x89: {  	s3 =	sld [smem:$0x3FFE];
	_ =	sdelay $0x1  }
0x8a: {  	s1 =	srdreg.scid  }
0x8b: {  	s0 =	sand.u32 $0x1, s1  }
0x8c: {  	s17 =	sshll.u32 s0, $0xA;
	s2 =	sadd.s32 s3, s2  }
0x8d: {  	s2 =	sadd.s32 s2, s17  }
0x8e: {  	[smem:$0x3FC5] =	sst s2  }
0x8f: {  	_ = 	snop  }
0x90: {  	s2 =	sld [smem:$0x3FD0];
	(tm) =	ssettm $0x1  }
0x91: {  	s18 =	sld [smem:$0x3FFB];
	_ =	sdelay $0x3  }
0x92: {  	_ =	strace s18  }
0x93: {  	s3 =	sld [smem:$0x3FFC];
	_ =	sdelay $0x3  }
0x94: {  	_ =	strace s3  }
0x95: {  	s3 =	sld [smem:$0x3FFD];
	_ =	sdelay $0x3  }
0x96: {  	_ =	strace s3  }
0x97: {  	_ =	strace $0x8FFFFFFF  }
0x98: {  	s19 =	sld [smem:$0x3FDB];
	_ =	sdelay $0x1  }
0x99: {  	s4 =	simm.s32 $_scs_section_size  }
0x9a: {  	s5 =	simm.s32 $_size__tile_overlayer_lowered;
	s6 =	simm.s32 $_tile_overlayer_lowered  }
0x9b: {  	s22 =	simm.s32 $0x1BFF;
	s21 =	sshll.u32 s6, $0x1;
	s3 =	sadd.s32 s4, s19  }
0x9c: {  	s7 =	simm.s32 $0x0;
	s20 =	sshll.u32 s5, $0x1;
	s5 =	sadd.s32 s21, s3  }
0x9d: {  	[timem:s7], [sflag:s22] =	dma.local [hbm:s5], s20  }
0x9e: {  	_ =	swait.ge [sflag:s22], s20  }
0x9f: {  	s4 =	ssub.s32 $0x0, s20;
	[sflag:s22] =	ssyncset.done $0x0  }
0xa0: {  	[sflag:s22] =	ssyncadd.s32 s4;
	_ =	sdelay $0x1  }
0xa1: {  	s23 =	simm.s32 $0x1B8B  }
0xa2: {  	_ =	swait.ge [sflag:s23], $0x1  }
0xa3: {  	[sflag:s23] =	ssyncset.done $0x0  }
0xa4: {  	s25 =	simm.s32 $0x1B8E;
	s24 =	sld [smem:$0x3FFE];
	[sflag:s23] =	ssyncadd.s32 $0xFFFFFFFF  }
0xa5: {  	s26 =	simm.s32 $execute0_lowered;
	[smem:$0x3FD2] =	sst s25  }
0xa6: {  	s5 =	sshll.u32 s26, $0x1;
	_ =	strace $0x80000046;
	[dreg:$0x1] =	wrdreg $0xFFFFFFFF  }
0xa7: {  	s28 =	simm.s32 $_size_execute0_lowered;
	s3 =	sadd.s32 s3, s5;
	[dreg:$0x0] =	wrdreg $0x0  }
0xa8: {  	s5 =	sshll.u32 s28, $0x1;
	[dreg:$0x2] =	wrdreg s3  }
0xa9: {  	[dreg:$0x3] =	wrdreg s5  }
0xaa: {  	[dreg:$0x4] =	wrdreg $0xC0  }
0xab: {  	_ =	task [dreg:s7], $0x5FFFF  }
0xac: {  	[dreg:$0x1] =	wrdreg $0xFFFFFFFF  }
0xad: {  	[dreg:$0x0] =	wrdreg $0x60  }
0xae: {  	[dreg:$0x2] =	wrdreg s24  }
0xaf: {  	[dreg:$0x3] =	wrdreg s2  }
0xb0: {  	[dreg:$0x4] =	wrdreg $0x50000  }
0xb1: {  	[dreg:$0x5] =	wrdreg $0x9  }
0xb2: {  	_ =	task.clear_ibuf [dreg:s7], $0x6FFFF;
	_ =	strace $0x90000046  }
0xb3: {  	s29 =	simm.s32 $0x9;
	_ =	strace $0x80000048  }
0xb4: {  	_ =	swait.ge [sflag:s29], $0x1  }
0xb5: {  	[sflag:s29] =	ssyncadd.s32 $0xFFFFFFFF  }
0xb6: {  	_ =	strace $0x90000048  }
0xb7: {  	_ =	sfence  }
0xb8: {  	s30 =	sld [smem:$0x0];
	_ =	sdelay $0x2  }
0xb9: {  	s31 =	sshll.u32 s1, $0xD;
	s1 =	sshrl.u32 s1, $0x2  }
0xba: {  	s3 =	sand.u32 $0x4000, s31;
	s1 =	sadd.s32 s1, s30  }
0xbb: {  	s0 =	sor.u32 s3, s0;
	s1 =	sshll.u32 s1, $0x11  }
0xbc: {  	s0 =	sor.u32 s1, s0  }
0xbd: {  	s0 =	sadd.s32 $0x8F2B, s0  }
0xbe: {  	[sflag:s0] =	ssyncadd.remote.s32 $0x1  }
0xbf: {  	_ =	sfence.sel $0xFFFF  }
0xc0: {  	[dreg:$0x0] =	wrdreg $0xFFFFFFFF;
	(pc) =	sbr.abs _section_cstart, $3  }
0xc1: {  	[dreg:$0x1] =	wrdreg $0xFFFFFFFF  }
0xc2: {  	_ =	task.clear_ibuf [dreg:s7], $0x2FFFF;
	_ =	strace $0x9FFFFFFF  }
0xc3: {  	(tm) =	ssettm $0x7FFFFFFF  }
tec
execute0_lowered:
.L_overlay_start_1:
0x0: {  	(tag) =	ssettag $0x1  }
0x1: {  	s1 =	rddreg [dreg:$0x0]  }
0x2: {  	s2 =	rddreg [dreg:$0x1]  }
0x3: {  	s4 =	rddreg [dreg:$0x2];
	s5 =	simm.s32 $0x0;
	s3 =	stileid.u32  }
0x4: {  	s6 =	srdreg.scid;
	s21 =	simm.s32 $0x1000;
	s22 =	simm.s32 $0x2  }
0x5: {  	s23 =	simm.s32 $0x800;
	s24 =	simm.s32 $0x80;
	s25 =	simm.s32 $0x1  }
0x6: {  	s26 =	simm.s32 $0x0;
	s31 =	simm.s32 $0x0;
	s0 =	smul.u32 $0x2700, s3  }
0x7: {  	[smem:$0x7FF] =	sst s5;
	s15 =	sand.u32 $0x1, s6;
	s8 =	smul.u32 $0x50000, s3  }
0x8: {  	s6 =	sadd.s32 $0x27200, s1;
	s7 =	sadd.s32 $0x31200, s1;
	s14 =	smul.u32 $0x4E000, s3  }
0x9: {  	s13 =	smul.u32 $0x5000, s3;
	s18 =	sadd.s32 $0x86D00, s1;
	s30 =	sadd.s32 $0x5FB00, s1  }
0xa: {  	p1 =	seq.s32 s3, $0xF;
	_ =	strace $0x80000047;
	[dreg:$0x5] =	wrdreg s18  }
0xb: {  	s9 =	ssub.s32 $0x2, s15;
	[dreg:$0x7] =	wrdreg s30;
	p0 =	sne.s32 s15, $0x0  }
0xc: {  	s0 =	sadd.s32 s0, s1;
	s10 =	sshrl.u32 s9, $0x1;
	s8 =	sshrl.u32 s8, $0x2  }
.Ltmp0:
0xd: {  	s14 =	sshrl.u32 s14, $0x2;
	s17 =	ssub.s32 s9, s10;
	(pc) =	sbr.rel .LBB2_1-.Ltmp0, $4  }
0xe: {  	s8 =	sadd.s32 s8, s4;
	s14 =	sadd.s32 s14, s4;
	s16 =	sadd.s32 $0x62400, s0  }
0xf: {  	s0 =	sadd.s32 $0x3B200, s0;
	s9 =	sadd.s32 $0x4000, s8;
	s10 =	sadd.s32 $0x8000, s8  }
0x10: {  	s11 =	sadd.s32 $0xC000, s8;
	s12 =	sadd.s32 $0x10000, s8;
	[dreg:$0x4] =	wrdreg s16  }
0x11: {  	v0 =	vimm.f32 $0.0e+00;
	s16 =	sadd.s32 $0x124800, s4;
	[dreg:$0x6] =	wrdreg s0;
	s20 =	smax.u32 s17, $0x1  }
.LBB2_12:
0x12: {  	s26 =	sadd.s32 $0x1, s26  }
0x13: {  	p2 =	sne.s32 s26, s20  }
.Ltmp1:
0x14: {  	_ = 	snop;
	(pc) =	sbr.rel @!p2 .LBB2_13-.Ltmp1, $1  }
0x15: {  	_ =	sdelay $0x3  }
.LBB2_1:
0x16: {  	s0 =	sand.u32 $0xFE00, s5  }
0x17: {  	s15 =	sand.u32 $0x70, s5;
	s17 =	sshrl.u32 s0, $0x2  }
0x18: {  	s0 =	simm.s32 $0x40;
	s17 =	sor.u32 s15, s17;
	s15 =	simm.s32 $0x0  }
.LBB2_2:
0x19: {  	p2 =	sne.s32 s0, $0xFFC0  }
0x1a: {  	[tilespmem:s17+$0x1000] =	vst v0;
	s15 =	sadd.s32 $0x10, s15;
	s17 =	smov.u32 s0;
	s0 =	sadd.s32 $0x40, s0  }
.Ltmp2:
0x1b: {  	(pc) =	sbr.rel @p2 .LBB2_2-.Ltmp2, $4  }
0x1c: {  	_ = 	snop  }
0x1d: {  	s17 =	sand.u32 $0xFE00, s17  }
0x1e: {  	s28 =	sand.u32 $0x70, s15;
	s17 =	sshrl.u32 s17, $0x2  }
0x1f: {  	s17 =	sor.u32 s28, s17  }
0x20: {  	[tilespmem:s17+$0x1000] =	vst v0  }
0x21: {  	[spmem:s8] =	stream.linear.scatter [tilespmem:s21], [sflag:$0x2], $0x4000, $0x38;
	[tilespmem:$0x19000] =	vst v63  }
0x22: {  	_ =	swait.ge [sflag:s22], $0x4000  }
0x23: {  	[sflag:s22] =	ssyncset.done $0x0  }
0x24: {  	[sflag:s22] =	ssyncadd.s32 $0xFFFFC000  }
0x25: {  	[spmem:s9] =	stream.linear.scatter [tilespmem:s21], [sflag:$0x2], $0x4000, $0x38;
	[tilespmem:$0x19000] =	vst v63  }
0x26: {  	_ =	swait.ge [sflag:s22], $0x4000  }
0x27: {  	[sflag:s22] =	ssyncset.done $0x0  }
0x28: {  	[sflag:s22] =	ssyncadd.s32 $0xFFFFC000  }
0x29: {  	[spmem:s10] =	stream.linear.scatter [tilespmem:s21], [sflag:$0x2], $0x4000, $0x38;
	[tilespmem:$0x19000] =	vst v63  }
0x2a: {  	_ =	swait.ge [sflag:s22], $0x4000  }
0x2b: {  	[sflag:s22] =	ssyncset.done $0x0  }
0x2c: {  	[sflag:s22] =	ssyncadd.s32 $0xFFFFC000  }
0x2d: {  	[spmem:s11] =	stream.linear.scatter [tilespmem:s21], [sflag:$0x2], $0x4000, $0x38;
	[tilespmem:$0x19000] =	vst v63  }
0x2e: {  	_ =	swait.ge [sflag:s22], $0x4000  }
0x2f: {  	[sflag:s22] =	ssyncset.done $0x0  }
0x30: {  	[sflag:s22] =	ssyncadd.s32 $0xFFFFC000  }
0x31: {  	[spmem:s12] =	stream.linear.scatter [tilespmem:s21], [sflag:$0x2], $0x4000, $0x38;
	[tilespmem:$0x19000] =	vst v63  }
.Ltmp3:
0x32: {  	_ =	swait.ge [sflag:s22], $0x4000;
	(pc) =	sbr.rel @p0 .LBB2_8-.Ltmp3, $4  }
0x33: {  	[sflag:s22] =	ssyncset.done $0x0  }
0x34: {  	s30 =	sshrl.u32 @p1 s16, $0x3;
	[sflag:s22] =	ssyncadd.s32 $0xFFFFC000  }
0x35: {  	s0 =	sshll.u32 @!p1 s3, $0x6;
	s28 =	sshrl.u32 @!p1 s14, $0x3;
	[bflag:$0x0] =	sbarrier.arrive $0xFFFF  }
0x36: {  	s15 =	simm.s32 $0x0;
	s29 =	sor.u32 @!p1 $0x1C02, s0;
	s0 =	simm.s32 $0x0  }
.LBB2_4:
0x37: {  	s15 =	sshll.u32 s0, $0xB  }
0x38: {  	s15 =	sadd.s32 s13, s15  }
0x39: {  	s15 =	sshrl.u32 s15, $0x3  }
0x3a: {  	s17 =	sadd.s32 s6, s15  }
0x3b: {  	[tilespmem:s31], [sflag:$0x2] =	stream.linear.gather [hbm4b:s17+s31], $0x800, $0x38;
	[tilespmem:$0x19000] =	vst v63  }
0x3c: {  	_ =	swait.ge [sflag:s22], $0x800  }
0x3d: {  	[sflag:s22] =	ssyncset.done $0x0  }
0x3e: {  	s15 =	sadd.s32 s7, s15;
	[sflag:s22] =	ssyncadd.s32 $0xFFFFF800  }
0x3f: {  	[tilespmem:s23], [sflag:$0x2] =	stream.linear.gather [hbm4b:s15+s31], $0x800, $0x38;
	[tilespmem:$0x19000] =	vst v63  }
0x40: {  	_ =	swait.ge [sflag:s22], $0x800  }
0x41: {  	[sflag:s22] =	ssyncset.done $0x0  }
0x42: {  	s18 =	simm.s32 $0x0;
	[sflag:s22] =	ssyncadd.s32 $0xFFFFF800  }
0x43: {  	[tilespmem:s21], [sflag:$0x1] =	stream.indirect.gather [hbm4b:s1+s24], $0x80, s18, s24, $0xb8;
	[tilespmem:$0x19000] =	vst v63  }
0x44: {  	_ =	swait.ge [sflag:s25], $0x4000  }
0x45: {  	[sflag:s25] =	ssyncset.done $0x0  }
0x46: {  	s19 =	simm.s32 $0x800;
	[sflag:s25] =	ssyncadd.s32 $0xFFFFC000  }
0x47: {  	[spmem:s4] =	stream.indirect.scatter.add.f32 [tilespmem:s21], [sflag:$0x2], $0x80, s19, s24, $0xb8;
	[tilespmem:$0x19000] =	vst v63  }
0x48: {  	_ =	swait.ge [sflag:s22], $0x4000  }
0x49: {  	s17 =	simm.s32 $0x400;
	s15 =	simm.s32 $0x200;
	[sflag:s22] =	ssyncset.done $0x0  }
.LBB2_5:
0x4a: {  	s18 =	sshra.s32 s15, $0x2  }
0x4b: {  	[sflag:s22] =	ssyncadd.s32 $0xFFFFC000;
	s15 =	smov.u32 s17;
	s19 =	sadd.s32 $0x200, s17  }
0x4c: {  	[tilespmem:s21], [sflag:$0x1] =	stream.indirect.gather [hbm4b:s1+s24], $0x80, s18, s24, $0xb8;
	[tilespmem:$0x19000] =	vst v63  }
0x4d: {  	p2 =	sne.s32 s17, $0x1E00;
	_ =	swait.ge [sflag:s25], $0x4000  }
.Ltmp4:
0x4e: {  	[sflag:s25] =	ssyncset.done $0x0;
	(pc) =	sbr.rel @p2 .LBB2_5-.Ltmp4, $4  }
0x4f: {  	s17 =	sadd.s32 $0x800, s18;
	[sflag:s25] =	ssyncadd.s32 $0xFFFFC000  }
0x50: {  	[spmem:s4] =	stream.indirect.scatter.add.f32 [tilespmem:s21], [sflag:$0x2], $0x80, s17, s24, $0xb8;
	[tilespmem:$0x19000] =	vst v63  }
0x51: {  	_ =	swait.ge [sflag:s22], $0x4000  }
0x52: {  	s17 =	smov.u32 s19;
	[sflag:s22] =	ssyncset.done $0x0  }
0x53: {  	s15 =	sshra.s32 s15, $0x2;
	[sflag:s22] =	ssyncadd.s32 $0xFFFFC000  }
0x54: {  	[tilespmem:s21], [sflag:$0x1] =	stream.indirect.gather [hbm4b:s1+s24], $0x80, s15, s24, $0xb8;
	[tilespmem:$0x19000] =	vst v63  }
0x55: {  	s0 =	sadd.s32 $0x1, s0;
	_ =	swait.ge [sflag:s25], $0x4000  }
0x56: {  	p2 =	sne.s32 s0, $0xA;
	[sflag:s25] =	ssyncset.done $0x0  }
.Ltmp5:
0x57: {  	s15 =	sadd.s32 $0x800, s15;
	[sflag:s25] =	ssyncadd.s32 $0xFFFFC000;
	(pc) =	sbr.rel @p2 .LBB2_4-.Ltmp5, $4  }
0x58: {  	[spmem:s4] =	stream.indirect.scatter.add.f32 [tilespmem:s21], [sflag:$0x2], $0x80, s15, s24, $0xb8;
	[tilespmem:$0x19000] =	vst v63  }
0x59: {  	_ =	swait.ge [sflag:s22], $0x4000  }
0x5a: {  	[sflag:s22] =	ssyncset.done $0x0  }
0x5b: {  	[sflag:s22] =	ssyncadd.s32 $0xFFFFC000  }
0x5c: {  	[bflag:$0x0] =	sbarrier.arrive $0xFFFF  }
0x5d: {  	s0 =	simm.s32 @p1 $0x1FC2;
	s15 =	rddreg [dreg:$0x7]  }
0x5e: {  	[hbm:s15], [sflag:s0] =	dma.local @p1 [spmem:s30], $0x2800  }
0x5f: {  	s0 =	simm.s32 @p1 $0x2  }
0x60: {  	_ =	swait.ge @p1 [sflag:s0], $0x2800  }
0x61: {  	[sflag:s0] =	ssyncset.done @p1 $0x0  }
0x62: {  	[sflag:s0] =	ssyncadd.s32 @p1 $0xFFFFD800;
	s0 =	rddreg [dreg:$0x6]  }
0x63: {  	[hbm:s0], [sflag:s29] =	dma.local @!p1 [spmem:s28], $0x2700  }
.Ltmp6:
0x64: {  	_ = 	snop;
	(pc) =	sbr.rel .LBB2_12-.Ltmp6, $4  }
0x65: {  	s0 =	simm.s32 @!p1 $0x2  }
0x66: {  	_ =	swait.ge @!p1 [sflag:s0], $0x2700  }
0x67: {  	[sflag:s0] =	ssyncset.done @!p1 $0x0  }
0x68: {  	[sflag:s0] =	ssyncadd.s32 @!p1 $0xFFFFD900  }
.LBB2_8:
0x69: {  	s0 =	sshll.u32 s15, $0xB  }
0x6a: {  	s0 =	sadd.s32 s13, s0  }
0x6b: {  	s0 =	sshrl.u32 s0, $0x3  }
0x6c: {  	s17 =	sadd.s32 s6, s0  }
0x6d: {  	[tilespmem:s31], [sflag:$0x2] =	stream.linear.gather [hbm4b:s17+s31], $0x800, $0x38;
	[tilespmem:$0x19000] =	vst v63  }
0x6e: {  	_ =	swait.ge [sflag:s22], $0x800  }
0x6f: {  	[sflag:s22] =	ssyncset.done $0x0  }
0x70: {  	s0 =	sadd.s32 s7, s0;
	[sflag:s22] =	ssyncadd.s32 $0xFFFFF800  }
0x71: {  	[tilespmem:s23], [sflag:$0x2] =	stream.linear.gather [hbm4b:s0+s31], $0x800, $0x38;
	[tilespmem:$0x19000] =	vst v63  }
0x72: {  	_ =	swait.ge [sflag:s22], $0x800  }
0x73: {  	[sflag:s22] =	ssyncset.done $0x0  }
0x74: {  	s18 =	simm.s32 $0x0;
	[sflag:s22] =	ssyncadd.s32 $0xFFFFF800  }
0x75: {  	[tilespmem:s21], [sflag:$0x1] =	stream.indirect.gather [hbm4b:s2+s24], $0x80, s18, s24, $0xb8;
	[tilespmem:$0x19000] =	vst v63  }
0x76: {  	_ =	swait.ge [sflag:s25], $0x4000  }
0x77: {  	[sflag:s25] =	ssyncset.done $0x0  }
0x78: {  	s19 =	simm.s32 $0x800;
	[sflag:s25] =	ssyncadd.s32 $0xFFFFC000  }
0x79: {  	[spmem:s4] =	stream.indirect.scatter.add.f32 [tilespmem:s21], [sflag:$0x2], $0x80, s19, s24, $0xb8;
	[tilespmem:$0x19000] =	vst v63  }
0x7a: {  	_ =	swait.ge [sflag:s22], $0x4000  }
0x7b: {  	s17 =	simm.s32 $0x400;
	s0 =	simm.s32 $0x200;
	[sflag:s22] =	ssyncset.done $0x0  }
.LBB2_9:
0x7c: {  	s18 =	sshra.s32 s0, $0x2  }
0x7d: {  	[sflag:s22] =	ssyncadd.s32 $0xFFFFC000;
	s0 =	smov.u32 s17;
	s19 =	sadd.s32 $0x200, s17  }
0x7e: {  	[tilespmem:s21], [sflag:$0x1] =	stream.indirect.gather [hbm4b:s2+s24], $0x80, s18, s24, $0xb8;
	[tilespmem:$0x19000] =	vst v63  }
0x7f: {  	p2 =	sne.s32 s17, $0x1E00;
	_ =	swait.ge [sflag:s25], $0x4000  }
.Ltmp7:
0x80: {  	[sflag:s25] =	ssyncset.done $0x0;
	(pc) =	sbr.rel @p2 .LBB2_9-.Ltmp7, $4  }
0x81: {  	s17 =	sadd.s32 $0x800, s18;
	[sflag:s25] =	ssyncadd.s32 $0xFFFFC000  }
0x82: {  	[spmem:s4] =	stream.indirect.scatter.add.f32 [tilespmem:s21], [sflag:$0x2], $0x80, s17, s24, $0xb8;
	[tilespmem:$0x19000] =	vst v63  }
0x83: {  	_ =	swait.ge [sflag:s22], $0x4000  }
0x84: {  	s17 =	smov.u32 s19;
	[sflag:s22] =	ssyncset.done $0x0  }
0x85: {  	s0 =	sshra.s32 s0, $0x2;
	[sflag:s22] =	ssyncadd.s32 $0xFFFFC000  }
0x86: {  	[tilespmem:s21], [sflag:$0x1] =	stream.indirect.gather [hbm4b:s2+s24], $0x80, s0, s24, $0xb8;
	[tilespmem:$0x19000] =	vst v63  }
0x87: {  	s15 =	sadd.s32 $0x1, s15;
	_ =	swait.ge [sflag:s25], $0x4000  }
0x88: {  	p2 =	sne.s32 s15, $0xA;
	[sflag:s25] =	ssyncset.done $0x0  }
.Ltmp8:
0x89: {  	s0 =	sadd.s32 $0x800, s0;
	[sflag:s25] =	ssyncadd.s32 $0xFFFFC000;
	(pc) =	sbr.rel @p2 .LBB2_8-.Ltmp8, $4  }
0x8a: {  	[spmem:s4] =	stream.indirect.scatter.add.f32 [tilespmem:s21], [sflag:$0x2], $0x80, s0, s24, $0xb8;
	[tilespmem:$0x19000] =	vst v63  }
0x8b: {  	_ =	swait.ge [sflag:s22], $0x4000  }
0x8c: {  	[sflag:s22] =	ssyncset.done $0x0  }
0x8d: {  	[sflag:s22] =	ssyncadd.s32 $0xFFFFC000  }
0x8e: {  	[bflag:$0x0] =	sbarrier.arrive $0xFFFF  }
0x8f: {  	s0 =	simm.s32 @p1 $0x1FC2;
	s15 =	rddreg [dreg:$0x5]  }
0x90: {  	[hbm:s15], [sflag:s0] =	dma.local @p1 [spmem:s30], $0x2800  }
0x91: {  	s0 =	simm.s32 @p1 $0x2  }
0x92: {  	_ =	swait.ge @p1 [sflag:s0], $0x2800  }
0x93: {  	[sflag:s0] =	ssyncset.done @p1 $0x0  }
0x94: {  	[sflag:s0] =	ssyncadd.s32 @p1 $0xFFFFD800;
	s0 =	rddreg [dreg:$0x4]  }
0x95: {  	[hbm:s0], [sflag:s29] =	dma.local @!p1 [spmem:s28], $0x2700  }
.Ltmp9:
0x96: {  	_ = 	snop;
	(pc) =	sbr.rel .LBB2_12-.Ltmp9, $4  }
0x97: {  	s0 =	simm.s32 @!p1 $0x2  }
0x98: {  	_ =	swait.ge @!p1 [sflag:s0], $0x2700  }
0x99: {  	[sflag:s0] =	ssyncset.done @!p1 $0x0  }
0x9a: {  	[sflag:s0] =	ssyncadd.s32 @!p1 $0xFFFFD900  }
.LBB2_13:
0x9b: {  	_ =	sfence.sel $0x180000  }
0x9c: {  	[bflag:$0x0] =	sbarrier.arrive $0xFFFF  }
0x9d: {  	_ =	strace $0x90000047  }
0x9e: {  	[bflag:$0x2] =	sbarrier.arrive $0xFFFF  }
0x9f: {  	p0 =	sne.s32 s3, $0x0;
	s0 =	rddreg [dreg:$0x3]  }
0xa0: {  	s0 =	sadd.s32 @!p0 $0x100000, s0  }
0xa1: {  	[sflag:s0] =	ssyncadd.tile.s32 @!p0 $0x1;
	_ =	shalt  }
.Lfunc_end2:
_tile_overlayer_lowered:
.L_overlay_start_2:
0xa2: {  	(tag) =	ssettag $0x2  }
0xa3: {  	s0 =	rddreg [dreg:$0x0];
	s2 =	stileid.u32  }
0xa4: {  	s1 =	rddreg [dreg:$0x1];
	p0 =	sne.s32 s2, $0x0  }
0xa5: {  	s3 =	rddreg [dreg:$0x2];
	[bflag:$0x3] =	sbarrier.arrive $0xFFFF;
	s2 =	simm.s32 @!p0 $0x1C02  }
0xa6: {  	[timem:s3], [sflag:s2] =	dma.local @!p0 [hbm:s0], s1  }
0xa7: {  	s0 =	simm.s32 @!p0 $0x2  }
0xa8: {  	_ =	swait.ge @!p0 [sflag:s0], s1  }
0xa9: {  	s1 =	ssub.s32 @!p0 $0x0, s1;
	[sflag:s0] =	ssyncset.done @!p0 $0x0  }
0xaa: {  	[sflag:s0] =	ssyncadd.s32 @!p0 s1  }
0xab: {  	[bflag:$0x3] =	sbarrier.arrive $0xFFFF  }
0xac: {  	_ =	shalt  }

</sc_bundles>
